<compile_context>
chip_gen: v7x
topology: tpu7x:2x2x1
jax: 0.10.2.dev20260603
libtpu: 0.0.44.dev20260713+nightly
codegen_flags: <defaults>
</compile_context>

<pallas_src>
import functools

import jax
import jax.numpy as jnp
from jax import lax
from jax.experimental import pallas as pl
from jax.experimental.pallas import tpu as pltpu
from jax.experimental.pallas import tpu_sc as plsc

NUM_EMB = 8194
DIM = 2048
OFFSET = 2
LANES = 16
CHUNK = 8
NBUF = 4

NUM_CORES = 2
NUM_SUBCORES = 16
NUM_WORKERS = NUM_CORES * NUM_SUBCORES


def _embed_kernel(n_idx: int):
    per_worker = n_idx // NUM_WORKERS
    n_chunks = per_worker // CHUNK
    mesh = plsc.VectorSubcoreMesh(core_axis_name="c", subcore_axis_name="s")

    @functools.partial(
        pl.kernel,
        mesh=mesh,
        out_type=jax.ShapeDtypeStruct((n_idx, DIM), jnp.float32),
        scratch_types=(
            [pltpu.VMEM((per_worker,), jnp.int32)]
            + [pltpu.VMEM((CHUNK, DIM), jnp.float32)] * NBUF
            + [pltpu.SemaphoreType.DMA] * (2 * NBUF)
        ),
    )
    def k(idx_hbm, table_hbm, out_hbm, idx_v, *scratch):
        bufs = scratch[:NBUF]
        gsems = scratch[NBUF : 2 * NBUF]
        wsems = scratch[2 * NBUF :]

        wid = lax.axis_index("s") * NUM_CORES + lax.axis_index("c")
        base = wid * per_worker
        pltpu.sync_copy(idx_hbm.at[pl.ds(base, per_worker)], idx_v)

        @pl.loop(0, per_worker, step=LANES)
        def _(i):
            idx_v[pl.ds(i, LANES)] = idx_v[pl.ds(i, LANES)] + OFFSET

        def gather(chunk_id, b):
            pltpu.async_copy(
                table_hbm.at[idx_v.at[pl.ds(chunk_id * CHUNK, CHUNK)]],
                bufs[b],
                gsems[b],
            )

        def gather_wait(chunk_id, b):
            pltpu.make_async_copy(
                table_hbm.at[idx_v.at[pl.ds(chunk_id * CHUNK, CHUNK)]],
                bufs[b],
                gsems[b],
            ).wait()

        def write(chunk_id, b):
            pltpu.async_copy(
                bufs[b],
                out_hbm.at[pl.ds(base + chunk_id * CHUNK, CHUNK)],
                wsems[b],
            )

        def write_wait(chunk_id, b):
            pltpu.make_async_copy(
                bufs[b],
                out_hbm.at[pl.ds(base + chunk_id * CHUNK, CHUNK)],
                wsems[b],
            ).wait()

        for b in range(NBUF):
            gather(b, b)

        @pl.loop(0, n_chunks - NBUF, step=NBUF)
        def _(c):
            for b in range(NBUF):
                cid = c + b
                gather_wait(cid, b)
                write(cid, b)
                write_wait(cid, b)
                gather(cid + NBUF, b)

        for b in range(NBUF):
            cid = n_chunks - NBUF + b
            gather_wait(cid, b)
            write(cid, b)
        for b in range(NBUF):
            write_wait(n_chunks - NBUF + b, b)

    return k


@jax.jit
def kernel(position_ids, table):
    batch, seq = position_ids.shape
    flat_idx = position_ids.reshape(batch * seq)
    out = _embed_kernel(batch * seq)(flat_idx, table)
    return out.reshape(batch, seq, DIM)

# --- scband reference (transcript-rebuilt; emitter-appended) ---
"""Pipeline reference for scband-bio-gpt-positional-embedding-11089605558916 (READ-ONLY COPY).

The authoritative reference and input builder live on the scoring server;
editing this copy changes nothing except your own understanding.
"""

import jax, jax.numpy as jnp
import numpy as np

NUM_EMB = 8194
DIM = 2048
OFFSET = 2
BATCH = 2
SEQ = 8192

def setup_inputs(seed: int = 0) -> dict:
    key = jax.random.key(seed)
    k1, k2 = jax.random.split(key)
    position_ids = jax.random.randint(k1, (BATCH, SEQ), 0, SEQ, dtype=jnp.int32)
    table = jax.random.normal(k2, (NUM_EMB, DIM), dtype=jnp.float32) * 0.02
    return {"position_ids": position_ids, "table": table}

def reference(position_ids, table):
    # BioGptPositionalEmbedding.forward: embedding(position_ids + offset)
    return jnp.take(table, position_ids + OFFSET, axis=0)

if __name__ == "__main__":
    import jax
    _d = setup_inputs()
    print(jax.jit(kernel)(*tuple(_d.values())))

</pallas_src>

<mosaic_0001>
#map = affine_map<(d0, d1) -> (0)>
#map1 = affine_map<(d0, d1) -> (0, 0)>
module attributes {stable_mosaic.version = 14 : i64} {
  func.func @k(%arg0: i32, %arg1: i32, %arg2: memref<16384xi32, #tpu.memory_space<hbm>>, %arg3: memref<8194x2048xf32, #tpu.memory_space<hbm>>, %arg4: memref<16384x2048xf32, #tpu.memory_space<hbm>>, %arg5: memref<512xi32, #tpu.memory_space<vmem>>, %arg6: memref<8x2048xf32, #tpu.memory_space<vmem>>, %arg7: memref<8x2048xf32, #tpu.memory_space<vmem>>, %arg8: memref<8x2048xf32, #tpu.memory_space<vmem>>, %arg9: memref<8x2048xf32, #tpu.memory_space<vmem>>, %arg10: memref<!tpu.dma_semaphore, #tpu.memory_space<semaphore_mem>>, %arg11: memref<!tpu.dma_semaphore, #tpu.memory_space<semaphore_mem>>, %arg12: memref<!tpu.dma_semaphore, #tpu.memory_space<semaphore_mem>>, %arg13: memref<!tpu.dma_semaphore, #tpu.memory_space<semaphore_mem>>, %arg14: memref<!tpu.dma_semaphore, #tpu.memory_space<semaphore_mem>>, %arg15: memref<!tpu.dma_semaphore, #tpu.memory_space<semaphore_mem>>, %arg16: memref<!tpu.dma_semaphore, #tpu.memory_space<semaphore_mem>>, %arg17: memref<!tpu.dma_semaphore, #tpu.memory_space<semaphore_mem>>) attributes {dimension_semantics = [#tpu.dimension_semantics<core_parallel>, #tpu.dimension_semantics<subcore_parallel>], iteration_bounds = array<i64: 2, 16>, scalar_prefetch = 0 : i64, scratch_operands = 13 : i64, tpu.core_type = #tpu.core_type<sc_vector_subcore>, window_params = [{transform_indices = #map}, {transform_indices = #map1}, {transform_indices = #map1}]} {
    %mul3A = arith.constant 2 : i32
    %mul3A_0 = arith.muli %arg1, %mul3A : i32
    %add3A = arith.addi %mul3A_0, %arg0 : i32
    %mul3A_1 = arith.constant 512 : i32
    %mul3A_2 = arith.muli %add3A, %mul3A_1 : i32
    "tpu.region"() ({
      %run_scoped3A = tpu.sem_alloc : memref<!tpu.dma_semaphore, #tpu.memory_space<semaphore_mem>>
      %dma_start3A_98 = tpu.memref_slice %arg2[%mul3A_2] : memref<16384xi32, #tpu.memory_space<hbm>> -> memref<512xi32, #tpu.memory_space<hbm>>
      %dma_start3A_99 = tpu.memref_slice %arg2[%mul3A_2] : memref<16384xi32, #tpu.memory_space<hbm>> -> memref<512xi32, #tpu.memory_space<hbm>>
      tpu.enqueue_dma source(%dma_start3A_99 : memref<512xi32, #tpu.memory_space<hbm>>) target(%arg5 : memref<512xi32, #tpu.memory_space<vmem>>) target_semaphore(%run_scoped3A : memref<!tpu.dma_semaphore, #tpu.memory_space<semaphore_mem>>)
      %dma_wait3A_100 = tpu.memref_slice %arg2[%mul3A_2] : memref<16384xi32, #tpu.memory_space<hbm>> -> memref<512xi32, #tpu.memory_space<hbm>>
      %dma_wait3A_101 = tpu.memref_slice %arg2[%mul3A_2] : memref<16384xi32, #tpu.memory_space<hbm>> -> memref<512xi32, #tpu.memory_space<hbm>>
      tpu.wait_dma2 semaphore(%run_scoped3A : memref<!tpu.dma_semaphore, #tpu.memory_space<semaphore_mem>>) src(%dma_wait3A_101 : memref<512xi32, #tpu.memory_space<hbm>>) dst(%arg5 : memref<512xi32, #tpu.memory_space<vmem>>)
      tpu.yield
    }) : () -> ()
    %scan3A = arith.constant 0 : i32
    %scan3A_3 = arith.constant 32 : i32
    %scan3A_4 = arith.addi %scan3A, %scan3A_3 : i32
    %scan3A_5 = arith.constant 1 : i32
    scf.for %scan3A_98 = %scan3A to %scan3A_4 step %scan3A_5  : i32 {
      %mul3A_99 = arith.constant 16 : i32
      %mul3A_100 = arith.muli %scan3A_98, %mul3A_99 : i32
      %add3A_101 = arith.constant 0 : i32
      %add3A_102 = arith.addi %add3A_101, %mul3A_100 : i32
      %get3A = arith.index_cast %add3A_102 : i32 to index
      %get3A_103 = tpu.vector_load %arg5[%get3A] {strides = array<i32>} : memref<512xi32, #tpu.memory_space<vmem>>, vector<16xi32>,
      %get3A_104 = vector.shape_cast %get3A_103 : vector<16xi32> to vector<16xi32>
      %add3A_105 = arith.constant 2 : i32
      %add3A_106 = vector.broadcast %add3A_105 : i32 to vector<16xi32>
      %add3A_107 = arith.addi %get3A_104, %add3A_106 : vector<16xi32>
      %swap3A = arith.index_cast %add3A_102 : i32 to index
      %swap3A_108 = tpu.vector_load %arg5[%swap3A] {strides = array<i32>} : memref<512xi32, #tpu.memory_space<vmem>>, vector<16xi32>,
      %swap3A_109 = vector.shape_cast %swap3A_108 : vector<16xi32> to vector<16xi32>
      %swap3A_110 = vector.shape_cast %add3A_107 : vector<16xi32> to vector<16xi32>
      tpu.vector_store %arg5[%swap3A], %swap3A_110 {strides = array<i32>} : memref<512xi32, #tpu.memory_space<vmem>>, vector<16xi32>,
    }
    %scan3A_6 = arith.constant 32 : i32
    %dma_start3A = arith.constant 0 : i32
    %dma_start3A_7 = tpu.memref_slice %arg5[%dma_start3A] : memref<512xi32, #tpu.memory_space<vmem>> -> memref<8xi32, #tpu.memory_space<vmem>>
    %dma_start3A_8 = arith.constant 0 : i32
    %dma_start3A_9 = arith.constant 0 : i32
    %dma_start3A_10 = tpu.memref_slice %arg3[%dma_start3A_8, %dma_start3A_9] : memref<8194x2048xf32, #tpu.memory_space<hbm>> -> memref<8194x2048xf32, #tpu.memory_space<hbm>>
    tpu.enqueue_indirect_dma source(%dma_start3A_10 : memref<8194x2048xf32, #tpu.memory_space<hbm>>) target(%arg6 : memref<8x2048xf32, #tpu.memory_space<vmem>>) offsets(%dma_start3A_7 : memref<8xi32, #tpu.memory_space<vmem>>) semaphore(%arg10 : memref<!tpu.dma_semaphore, #tpu.memory_space<semaphore_mem>>)
    %dma_start3A_11 = arith.constant 8 : i32
    %dma_start3A_12 = tpu.memref_slice %arg5[%dma_start3A_11] : memref<512xi32, #tpu.memory_space<vmem>> -> memref<8xi32, #tpu.memory_space<vmem>>
    %dma_start3A_13 = arith.constant 0 : i32
    %dma_start3A_14 = arith.constant 0 : i32
    %dma_start3A_15 = tpu.memref_slice %arg3[%dma_start3A_13, %dma_start3A_14] : memref<8194x2048xf32, #tpu.memory_space<hbm>> -> memref<8194x2048xf32, #tpu.memory_space<hbm>>
    tpu.enqueue_indirect_dma source(%dma_start3A_15 : memref<8194x2048xf32, #tpu.memory_space<hbm>>) target(%arg7 : memref<8x2048xf32, #tpu.memory_space<vmem>>) offsets(%dma_start3A_12 : memref<8xi32, #tpu.memory_space<vmem>>) semaphore(%arg11 : memref<!tpu.dma_semaphore, #tpu.memory_space<semaphore_mem>>)
    %dma_start3A_16 = arith.constant 16 : i32
    %dma_start3A_17 = tpu.memref_slice %arg5[%dma_start3A_16] : memref<512xi32, #tpu.memory_space<vmem>> -> memref<8xi32, #tpu.memory_space<vmem>>
    %dma_start3A_18 = arith.constant 0 : i32
    %dma_start3A_19 = arith.constant 0 : i32
    %dma_start3A_20 = tpu.memref_slice %arg3[%dma_start3A_18, %dma_start3A_19] : memref<8194x2048xf32, #tpu.memory_space<hbm>> -> memref<8194x2048xf32, #tpu.memory_space<hbm>>
    tpu.enqueue_indirect_dma source(%dma_start3A_20 : memref<8194x2048xf32, #tpu.memory_space<hbm>>) target(%arg8 : memref<8x2048xf32, #tpu.memory_space<vmem>>) offsets(%dma_start3A_17 : memref<8xi32, #tpu.memory_space<vmem>>) semaphore(%arg12 : memref<!tpu.dma_semaphore, #tpu.memory_space<semaphore_mem>>)
    %dma_start3A_21 = arith.constant 24 : i32
    %dma_start3A_22 = tpu.memref_slice %arg5[%dma_start3A_21] : memref<512xi32, #tpu.memory_space<vmem>> -> memref<8xi32, #tpu.memory_space<vmem>>
    %dma_start3A_23 = arith.constant 0 : i32
    %dma_start3A_24 = arith.constant 0 : i32
    %dma_start3A_25 = tpu.memref_slice %arg3[%dma_start3A_23, %dma_start3A_24] : memref<8194x2048xf32, #tpu.memory_space<hbm>> -> memref<8194x2048xf32, #tpu.memory_space<hbm>>
    tpu.enqueue_indirect_dma source(%dma_start3A_25 : memref<8194x2048xf32, #tpu.memory_space<hbm>>) target(%arg9 : memref<8x2048xf32, #tpu.memory_space<vmem>>) offsets(%dma_start3A_22 : memref<8xi32, #tpu.memory_space<vmem>>) semaphore(%arg13 : memref<!tpu.dma_semaphore, #tpu.memory_space<semaphore_mem>>)
    %scan3A_26 = arith.constant 0 : i32
    %scan3A_27 = arith.constant 15 : i32
    %scan3A_28 = arith.addi %scan3A_26, %scan3A_27 : i32
    %scan3A_29 = arith.constant 1 : i32
    scf.for %scan3A_98 = %scan3A_26 to %scan3A_28 step %scan3A_29  : i32 {
      %mul3A_99 = arith.constant 4 : i32
      %mul3A_100 = arith.muli %scan3A_98, %mul3A_99 : i32
      %add3A_101 = arith.constant 0 : i32
      %add3A_102 = arith.addi %add3A_101, %mul3A_100 : i32
      %add3A_103 = arith.constant 0 : i32
      %add3A_104 = arith.addi %add3A_102, %add3A_103 : i32
      %mul3A_105 = arith.constant 8 : i32
      %mul3A_106 = arith.muli %add3A_104, %mul3A_105 : i32
      %dma_wait3A_107 = tpu.memref_slice %arg5[%mul3A_106] : memref<512xi32, #tpu.memory_space<vmem>> -> memref<8xi32, #tpu.memory_space<vmem>>
      %dma_wait3A_108 = arith.constant 0 : i32
      %dma_wait3A_109 = arith.constant 0 : i32
      %dma_wait3A_110 = tpu.memref_slice %arg3[%dma_wait3A_108, %dma_wait3A_109] : memref<8194x2048xf32, #tpu.memory_space<hbm>> -> memref<8194x2048xf32, #tpu.memory_space<hbm>>
      tpu.wait_indirect_dma semaphore(%arg10 : memref<!tpu.dma_semaphore, #tpu.memory_space<semaphore_mem>>) src(%dma_wait3A_110 : memref<8194x2048xf32, #tpu.memory_space<hbm>>) dst(%arg6 : memref<8x2048xf32, #tpu.memory_space<vmem>>)
      %mul3A_111 = arith.constant 8 : i32
      %mul3A_112 = arith.muli %add3A_104, %mul3A_111 : i32
      %add3A_113 = arith.addi %mul3A_2, %mul3A_112 : i32
      %dma_start3A_114 = arith.constant 0 : i32
      %dma_start3A_115 = tpu.memref_slice %arg4[%add3A_113, %dma_start3A_114] : memref<16384x2048xf32, #tpu.memory_space<hbm>> -> memref<8x2048xf32, #tpu.memory_space<hbm>>
      %dma_start3A_116 = arith.constant 0 : i32
      %dma_start3A_117 = tpu.memref_slice %arg4[%add3A_113, %dma_start3A_116] : memref<16384x2048xf32, #tpu.memory_space<hbm>> -> memref<8x2048xf32, #tpu.memory_space<hbm>>
      tpu.enqueue_dma source(%arg6 : memref<8x2048xf32, #tpu.memory_space<vmem>>) target(%dma_start3A_117 : memref<8x2048xf32, #tpu.memory_space<hbm>>) target_semaphore(%arg14 : memref<!tpu.dma_semaphore, #tpu.memory_space<semaphore_mem>>)
      %mul3A_118 = arith.constant 8 : i32
      %mul3A_119 = arith.muli %add3A_104, %mul3A_118 : i32
      %add3A_120 = arith.addi %mul3A_2, %mul3A_119 : i32
      %dma_wait3A_121 = arith.constant 0 : i32
      %dma_wait3A_122 = tpu.memref_slice %arg4[%add3A_120, %dma_wait3A_121] : memref<16384x2048xf32, #tpu.memory_space<hbm>> -> memref<8x2048xf32, #tpu.memory_space<hbm>>
      %dma_wait3A_123 = arith.constant 0 : i32
      %dma_wait3A_124 = tpu.memref_slice %arg4[%add3A_120, %dma_wait3A_123] : memref<16384x2048xf32, #tpu.memory_space<hbm>> -> memref<8x2048xf32, #tpu.memory_space<hbm>>
      tpu.wait_dma2 semaphore(%arg14 : memref<!tpu.dma_semaphore, #tpu.memory_space<semaphore_mem>>) src(%arg6 : memref<8x2048xf32, #tpu.memory_space<vmem>>) dst(%dma_wait3A_124 : memref<8x2048xf32, #tpu.memory_space<hbm>>)
      %add3A_125 = arith.constant 4 : i32
      %add3A_126 = arith.addi %add3A_104, %add3A_125 : i32
      %mul3A_127 = arith.constant 8 : i32
      %mul3A_128 = arith.muli %add3A_126, %mul3A_127 : i32
      %dma_start3A_129 = tpu.memref_slice %arg5[%mul3A_128] : memref<512xi32, #tpu.memory_space<vmem>> -> memref<8xi32, #tpu.memory_space<vmem>>
      %dma_start3A_130 = arith.constant 0 : i32
      %dma_start3A_131 = arith.constant 0 : i32
      %dma_start3A_132 = tpu.memref_slice %arg3[%dma_start3A_130, %dma_start3A_131] : memref<8194x2048xf32, #tpu.memory_space<hbm>> -> memref<8194x2048xf32, #tpu.memory_space<hbm>>
      tpu.enqueue_indirect_dma source(%dma_start3A_132 : memref<8194x2048xf32, #tpu.memory_space<hbm>>) target(%arg6 : memref<8x2048xf32, #tpu.memory_space<vmem>>) offsets(%dma_start3A_129 : memref<8xi32, #tpu.memory_space<vmem>>) semaphore(%arg10 : memref<!tpu.dma_semaphore, #tpu.memory_space<semaphore_mem>>)
      %add3A_133 = arith.constant 1 : i32
      %add3A_134 = arith.addi %add3A_102, %add3A_133 : i32
      %mul3A_135 = arith.constant 8 : i32
      %mul3A_136 = arith.muli %add3A_134, %mul3A_135 : i32
      %dma_wait3A_137 = tpu.memref_slice %arg5[%mul3A_136] : memref<512xi32, #tpu.memory_space<vmem>> -> memref<8xi32, #tpu.memory_space<vmem>>
      %dma_wait3A_138 = arith.constant 0 : i32
      %dma_wait3A_139 = arith.constant 0 : i32
      %dma_wait3A_140 = tpu.memref_slice %arg3[%dma_wait3A_138, %dma_wait3A_139] : memref<8194x2048xf32, #tpu.memory_space<hbm>> -> memref<8194x2048xf32, #tpu.memory_space<hbm>>
      tpu.wait_indirect_dma semaphore(%arg11 : memref<!tpu.dma_semaphore, #tpu.memory_space<semaphore_mem>>) src(%dma_wait3A_140 : memref<8194x2048xf32, #tpu.memory_space<hbm>>) dst(%arg7 : memref<8x2048xf32, #tpu.memory_space<vmem>>)
      %mul3A_141 = arith.constant 8 : i32
      %mul3A_142 = arith.muli %add3A_134, %mul3A_141 : i32
      %add3A_143 = arith.addi %mul3A_2, %mul3A_142 : i32
      %dma_start3A_144 = arith.constant 0 : i32
      %dma_start3A_145 = tpu.memref_slice %arg4[%add3A_143, %dma_start3A_144] : memref<16384x2048xf32, #tpu.memory_space<hbm>> -> memref<8x2048xf32, #tpu.memory_space<hbm>>
      %dma_start3A_146 = arith.constant 0 : i32
      %dma_start3A_147 = tpu.memref_slice %arg4[%add3A_143, %dma_start3A_146] : memref<16384x2048xf32, #tpu.memory_space<hbm>> -> memref<8x2048xf32, #tpu.memory_space<hbm>>
      tpu.enqueue_dma source(%arg7 : memref<8x2048xf32, #tpu.memory_space<vmem>>) target(%dma_start3A_147 : memref<8x2048xf32, #tpu.memory_space<hbm>>) target_semaphore(%arg15 : memref<!tpu.dma_semaphore, #tpu.memory_space<semaphore_mem>>)
      %mul3A_148 = arith.constant 8 : i32
      %mul3A_149 = arith.muli %add3A_134, %mul3A_148 : i32
      %add3A_150 = arith.addi %mul3A_2, %mul3A_149 : i32
      %dma_wait3A_151 = arith.constant 0 : i32
      %dma_wait3A_152 = tpu.memref_slice %arg4[%add3A_150, %dma_wait3A_151] : memref<16384x2048xf32, #tpu.memory_space<hbm>> -> memref<8x2048xf32, #tpu.memory_space<hbm>>
      %dma_wait3A_153 = arith.constant 0 : i32
      %dma_wait3A_154 = tpu.memref_slice %arg4[%add3A_150, %dma_wait3A_153] : memref<16384x2048xf32, #tpu.memory_space<hbm>> -> memref<8x2048xf32, #tpu.memory_space<hbm>>
      tpu.wait_dma2 semaphore(%arg15 : memref<!tpu.dma_semaphore, #tpu.memory_space<semaphore_mem>>) src(%arg7 : memref<8x2048xf32, #tpu.memory_space<vmem>>) dst(%dma_wait3A_154 : memref<8x2048xf32, #tpu.memory_space<hbm>>)
      %add3A_155 = arith.constant 4 : i32
      %add3A_156 = arith.addi %add3A_134, %add3A_155 : i32
      %mul3A_157 = arith.constant 8 : i32
      %mul3A_158 = arith.muli %add3A_156, %mul3A_157 : i32
      %dma_start3A_159 = tpu.memref_slice %arg5[%mul3A_158] : memref<512xi32, #tpu.memory_space<vmem>> -> memref<8xi32, #tpu.memory_space<vmem>>
      %dma_start3A_160 = arith.constant 0 : i32
      %dma_start3A_161 = arith.constant 0 : i32
      %dma_start3A_162 = tpu.memref_slice %arg3[%dma_start3A_160, %dma_start3A_161] : memref<8194x2048xf32, #tpu.memory_space<hbm>> -> memref<8194x2048xf32, #tpu.memory_space<hbm>>
      tpu.enqueue_indirect_dma source(%dma_start3A_162 : memref<8194x2048xf32, #tpu.memory_space<hbm>>) target(%arg7 : memref<8x2048xf32, #tpu.memory_space<vmem>>) offsets(%dma_start3A_159 : memref<8xi32, #tpu.memory_space<vmem>>) semaphore(%arg11 : memref<!tpu.dma_semaphore, #tpu.memory_space<semaphore_mem>>)
      %add3A_163 = arith.constant 2 : i32
      %add3A_164 = arith.addi %add3A_102, %add3A_163 : i32
      %mul3A_165 = arith.constant 8 : i32
      %mul3A_166 = arith.muli %add3A_164, %mul3A_165 : i32
      %dma_wait3A_167 = tpu.memref_slice %arg5[%mul3A_166] : memref<512xi32, #tpu.memory_space<vmem>> -> memref<8xi32, #tpu.memory_space<vmem>>
      %dma_wait3A_168 = arith.constant 0 : i32
      %dma_wait3A_169 = arith.constant 0 : i32
      %dma_wait3A_170 = tpu.memref_slice %arg3[%dma_wait3A_168, %dma_wait3A_169] : memref<8194x2048xf32, #tpu.memory_space<hbm>> -> memref<8194x2048xf32, #tpu.memory_space<hbm>>
      tpu.wait_indirect_dma semaphore(%arg12 : memref<!tpu.dma_semaphore, #tpu.memory_space<semaphore_mem>>) src(%dma_wait3A_170 : memref<8194x2048xf32, #tpu.memory_space<hbm>>) dst(%arg8 : memref<8x2048xf32, #tpu.memory_space<vmem>>)
      %mul3A_171 = arith.constant 8 : i32
      %mul3A_172 = arith.muli %add3A_164, %mul3A_171 : i32
      %add3A_173 = arith.addi %mul3A_2, %mul3A_172 : i32
      %dma_start3A_174 = arith.constant 0 : i32
      %dma_start3A_175 = tpu.memref_slice %arg4[%add3A_173, %dma_start3A_174] : memref<16384x2048xf32, #tpu.memory_space<hbm>> -> memref<8x2048xf32, #tpu.memory_space<hbm>>
      %dma_start3A_176 = arith.constant 0 : i32
      %dma_start3A_177 = tpu.memref_slice %arg4[%add3A_173, %dma_start3A_176] : memref<16384x2048xf32, #tpu.memory_space<hbm>> -> memref<8x2048xf32, #tpu.memory_space<hbm>>
      tpu.enqueue_dma source(%arg8 : memref<8x2048xf32, #tpu.memory_space<vmem>>) target(%dma_start3A_177 : memref<8x2048xf32, #tpu.memory_space<hbm>>) target_semaphore(%arg16 : memref<!tpu.dma_semaphore, #tpu.memory_space<semaphore_mem>>)
      %mul3A_178 = arith.constant 8 : i32
      %mul3A_179 = arith.muli %add3A_164, %mul3A_178 : i32
      %add3A_180 = arith.addi %mul3A_2, %mul3A_179 : i32
      %dma_wait3A_181 = arith.constant 0 : i32
      %dma_wait3A_182 = tpu.memref_slice %arg4[%add3A_180, %dma_wait3A_181] : memref<16384x2048xf32, #tpu.memory_space<hbm>> -> memref<8x2048xf32, #tpu.memory_space<hbm>>
      %dma_wait3A_183 = arith.constant 0 : i32
      %dma_wait3A_184 = tpu.memref_slice %arg4[%add3A_180, %dma_wait3A_183] : memref<16384x2048xf32, #tpu.memory_space<hbm>> -> memref<8x2048xf32, #tpu.memory_space<hbm>>
      tpu.wait_dma2 semaphore(%arg16 : memref<!tpu.dma_semaphore, #tpu.memory_space<semaphore_mem>>) src(%arg8 : memref<8x2048xf32, #tpu.memory_space<vmem>>) dst(%dma_wait3A_184 : memref<8x2048xf32, #tpu.memory_space<hbm>>)
      %add3A_185 = arith.constant 4 : i32
      %add3A_186 = arith.addi %add3A_164, %add3A_185 : i32
      %mul3A_187 = arith.constant 8 : i32
      %mul3A_188 = arith.muli %add3A_186, %mul3A_187 : i32
      %dma_start3A_189 = tpu.memref_slice %arg5[%mul3A_188] : memref<512xi32, #tpu.memory_space<vmem>> -> memref<8xi32, #tpu.memory_space<vmem>>
      %dma_start3A_190 = arith.constant 0 : i32
      %dma_start3A_191 = arith.constant 0 : i32
      %dma_start3A_192 = tpu.memref_slice %arg3[%dma_start3A_190, %dma_start3A_191] : memref<8194x2048xf32, #tpu.memory_space<hbm>> -> memref<8194x2048xf32, #tpu.memory_space<hbm>>
      tpu.enqueue_indirect_dma source(%dma_start3A_192 : memref<8194x2048xf32, #tpu.memory_space<hbm>>) target(%arg8 : memref<8x2048xf32, #tpu.memory_space<vmem>>) offsets(%dma_start3A_189 : memref<8xi32, #tpu.memory_space<vmem>>) semaphore(%arg12 : memref<!tpu.dma_semaphore, #tpu.memory_space<semaphore_mem>>)
      %add3A_193 = arith.constant 3 : i32
      %add3A_194 = arith.addi %add3A_102, %add3A_193 : i32
      %mul3A_195 = arith.constant 8 : i32
      %mul3A_196 = arith.muli %add3A_194, %mul3A_195 : i32
      %dma_wait3A_197 = tpu.memref_slice %arg5[%mul3A_196] : memref<512xi32, #tpu.memory_space<vmem>> -> memref<8xi32, #tpu.memory_space<vmem>>
      %dma_wait3A_198 = arith.constant 0 : i32
      %dma_wait3A_199 = arith.constant 0 : i32
      %dma_wait3A_200 = tpu.memref_slice %arg3[%dma_wait3A_198, %dma_wait3A_199] : memref<8194x2048xf32, #tpu.memory_space<hbm>> -> memref<8194x2048xf32, #tpu.memory_space<hbm>>
      tpu.wait_indirect_dma semaphore(%arg13 : memref<!tpu.dma_semaphore, #tpu.memory_space<semaphore_mem>>) src(%dma_wait3A_200 : memref<8194x2048xf32, #tpu.memory_space<hbm>>) dst(%arg9 : memref<8x2048xf32, #tpu.memory_space<vmem>>)
      %mul3A_201 = arith.constant 8 : i32
      %mul3A_202 = arith.muli %add3A_194, %mul3A_201 : i32
      %add3A_203 = arith.addi %mul3A_2, %mul3A_202 : i32
      %dma_start3A_204 = arith.constant 0 : i32
      %dma_start3A_205 = tpu.memref_slice %arg4[%add3A_203, %dma_start3A_204] : memref<16384x2048xf32, #tpu.memory_space<hbm>> -> memref<8x2048xf32, #tpu.memory_space<hbm>>
      %dma_start3A_206 = arith.constant 0 : i32
      %dma_start3A_207 = tpu.memref_slice %arg4[%add3A_203, %dma_start3A_206] : memref<16384x2048xf32, #tpu.memory_space<hbm>> -> memref<8x2048xf32, #tpu.memory_space<hbm>>
      tpu.enqueue_dma source(%arg9 : memref<8x2048xf32, #tpu.memory_space<vmem>>) target(%dma_start3A_207 : memref<8x2048xf32, #tpu.memory_space<hbm>>) target_semaphore(%arg17 : memref<!tpu.dma_semaphore, #tpu.memory_space<semaphore_mem>>)
      %mul3A_208 = arith.constant 8 : i32
      %mul3A_209 = arith.muli %add3A_194, %mul3A_208 : i32
      %add3A_210 = arith.addi %mul3A_2, %mul3A_209 : i32
      %dma_wait3A_211 = arith.constant 0 : i32
      %dma_wait3A_212 = tpu.memref_slice %arg4[%add3A_210, %dma_wait3A_211] : memref<16384x2048xf32, #tpu.memory_space<hbm>> -> memref<8x2048xf32, #tpu.memory_space<hbm>>
      %dma_wait3A_213 = arith.constant 0 : i32
      %dma_wait3A_214 = tpu.memref_slice %arg4[%add3A_210, %dma_wait3A_213] : memref<16384x2048xf32, #tpu.memory_space<hbm>> -> memref<8x2048xf32, #tpu.memory_space<hbm>>
      tpu.wait_dma2 semaphore(%arg17 : memref<!tpu.dma_semaphore, #tpu.memory_space<semaphore_mem>>) src(%arg9 : memref<8x2048xf32, #tpu.memory_space<vmem>>) dst(%dma_wait3A_214 : memref<8x2048xf32, #tpu.memory_space<hbm>>)
      %add3A_215 = arith.constant 4 : i32
      %add3A_216 = arith.addi %add3A_194, %add3A_215 : i32
      %mul3A_217 = arith.constant 8 : i32
      %mul3A_218 = arith.muli %add3A_216, %mul3A_217 : i32
      %dma_start3A_219 = tpu.memref_slice %arg5[%mul3A_218] : memref<512xi32, #tpu.memory_space<vmem>> -> memref<8xi32, #tpu.memory_space<vmem>>
      %dma_start3A_220 = arith.constant 0 : i32
      %dma_start3A_221 = arith.constant 0 : i32
      %dma_start3A_222 = tpu.memref_slice %arg3[%dma_start3A_220, %dma_start3A_221] : memref<8194x2048xf32, #tpu.memory_space<hbm>> -> memref<8194x2048xf32, #tpu.memory_space<hbm>>
      tpu.enqueue_indirect_dma source(%dma_start3A_222 : memref<8194x2048xf32, #tpu.memory_space<hbm>>) target(%arg9 : memref<8x2048xf32, #tpu.memory_space<vmem>>) offsets(%dma_start3A_219 : memref<8xi32, #tpu.memory_space<vmem>>) semaphore(%arg13 : memref<!tpu.dma_semaphore, #tpu.memory_space<semaphore_mem>>)
    }
    %scan3A_30 = arith.constant 15 : i32
    %dma_wait3A = arith.constant 480 : i32
    %dma_wait3A_31 = tpu.memref_slice %arg5[%dma_wait3A] : memref<512xi32, #tpu.memory_space<vmem>> -> memref<8xi32, #tpu.memory_space<vmem>>
    %dma_wait3A_32 = arith.constant 0 : i32
    %dma_wait3A_33 = arith.constant 0 : i32
    %dma_wait3A_34 = tpu.memref_slice %arg3[%dma_wait3A_32, %dma_wait3A_33] : memref<8194x2048xf32, #tpu.memory_space<hbm>> -> memref<8194x2048xf32, #tpu.memory_space<hbm>>
    tpu.wait_indirect_dma semaphore(%arg10 : memref<!tpu.dma_semaphore, #tpu.memory_space<semaphore_mem>>) src(%dma_wait3A_34 : memref<8194x2048xf32, #tpu.memory_space<hbm>>) dst(%arg6 : memref<8x2048xf32, #tpu.memory_space<vmem>>)
    %add3A_35 = arith.constant 480 : i32
    %add3A_36 = arith.addi %mul3A_2, %add3A_35 : i32
    %dma_start3A_37 = arith.constant 0 : i32
    %dma_start3A_38 = tpu.memref_slice %arg4[%add3A_36, %dma_start3A_37] : memref<16384x2048xf32, #tpu.memory_space<hbm>> -> memref<8x2048xf32, #tpu.memory_space<hbm>>
    %dma_start3A_39 = arith.constant 0 : i32
    %dma_start3A_40 = tpu.memref_slice %arg4[%add3A_36, %dma_start3A_39] : memref<16384x2048xf32, #tpu.memory_space<hbm>> -> memref<8x2048xf32, #tpu.memory_space<hbm>>
    tpu.enqueue_dma source(%arg6 : memref<8x2048xf32, #tpu.memory_space<vmem>>) target(%dma_start3A_40 : memref<8x2048xf32, #tpu.memory_space<hbm>>) target_semaphore(%arg14 : memref<!tpu.dma_semaphore, #tpu.memory_space<semaphore_mem>>)
    %dma_wait3A_41 = arith.constant 488 : i32
    %dma_wait3A_42 = tpu.memref_slice %arg5[%dma_wait3A_41] : memref<512xi32, #tpu.memory_space<vmem>> -> memref<8xi32, #tpu.memory_space<vmem>>
    %dma_wait3A_43 = arith.constant 0 : i32
    %dma_wait3A_44 = arith.constant 0 : i32
    %dma_wait3A_45 = tpu.memref_slice %arg3[%dma_wait3A_43, %dma_wait3A_44] : memref<8194x2048xf32, #tpu.memory_space<hbm>> -> memref<8194x2048xf32, #tpu.memory_space<hbm>>
    tpu.wait_indirect_dma semaphore(%arg11 : memref<!tpu.dma_semaphore, #tpu.memory_space<semaphore_mem>>) src(%dma_wait3A_45 : memref<8194x2048xf32, #tpu.memory_space<hbm>>) dst(%arg7 : memref<8x2048xf32, #tpu.memory_space<vmem>>)
    %add3A_46 = arith.constant 488 : i32
    %add3A_47 = arith.addi %mul3A_2, %add3A_46 : i32
    %dma_start3A_48 = arith.constant 0 : i32
    %dma_start3A_49 = tpu.memref_slice %arg4[%add3A_47, %dma_start3A_48] : memref<16384x2048xf32, #tpu.memory_space<hbm>> -> memref<8x2048xf32, #tpu.memory_space<hbm>>
    %dma_start3A_50 = arith.constant 0 : i32
    %dma_start3A_51 = tpu.memref_slice %arg4[%add3A_47, %dma_start3A_50] : memref<16384x2048xf32, #tpu.memory_space<hbm>> -> memref<8x2048xf32, #tpu.memory_space<hbm>>
    tpu.enqueue_dma source(%arg7 : memref<8x2048xf32, #tpu.memory_space<vmem>>) target(%dma_start3A_51 : memref<8x2048xf32, #tpu.memory_space<hbm>>) target_semaphore(%arg15 : memref<!tpu.dma_semaphore, #tpu.memory_space<semaphore_mem>>)
    %dma_wait3A_52 = arith.constant 496 : i32
    %dma_wait3A_53 = tpu.memref_slice %arg5[%dma_wait3A_52] : memref<512xi32, #tpu.memory_space<vmem>> -> memref<8xi32, #tpu.memory_space<vmem>>
    %dma_wait3A_54 = arith.constant 0 : i32
    %dma_wait3A_55 = arith.constant 0 : i32
    %dma_wait3A_56 = tpu.memref_slice %arg3[%dma_wait3A_54, %dma_wait3A_55] : memref<8194x2048xf32, #tpu.memory_space<hbm>> -> memref<8194x2048xf32, #tpu.memory_space<hbm>>
    tpu.wait_indirect_dma semaphore(%arg12 : memref<!tpu.dma_semaphore, #tpu.memory_space<semaphore_mem>>) src(%dma_wait3A_56 : memref<8194x2048xf32, #tpu.memory_space<hbm>>) dst(%arg8 : memref<8x2048xf32, #tpu.memory_space<vmem>>)
    %add3A_57 = arith.constant 496 : i32
    %add3A_58 = arith.addi %mul3A_2, %add3A_57 : i32
    %dma_start3A_59 = arith.constant 0 : i32
    %dma_start3A_60 = tpu.memref_slice %arg4[%add3A_58, %dma_start3A_59] : memref<16384x2048xf32, #tpu.memory_space<hbm>> -> memref<8x2048xf32, #tpu.memory_space<hbm>>
    %dma_start3A_61 = arith.constant 0 : i32
    %dma_start3A_62 = tpu.memref_slice %arg4[%add3A_58, %dma_start3A_61] : memref<16384x2048xf32, #tpu.memory_space<hbm>> -> memref<8x2048xf32, #tpu.memory_space<hbm>>
    tpu.enqueue_dma source(%arg8 : memref<8x2048xf32, #tpu.memory_space<vmem>>) target(%dma_start3A_62 : memref<8x2048xf32, #tpu.memory_space<hbm>>) target_semaphore(%arg16 : memref<!tpu.dma_semaphore, #tpu.memory_space<semaphore_mem>>)
    %dma_wait3A_63 = arith.constant 504 : i32
    %dma_wait3A_64 = tpu.memref_slice %arg5[%dma_wait3A_63] : memref<512xi32, #tpu.memory_space<vmem>> -> memref<8xi32, #tpu.memory_space<vmem>>
    %dma_wait3A_65 = arith.constant 0 : i32
    %dma_wait3A_66 = arith.constant 0 : i32
    %dma_wait3A_67 = tpu.memref_slice %arg3[%dma_wait3A_65, %dma_wait3A_66] : memref<8194x2048xf32, #tpu.memory_space<hbm>> -> memref<8194x2048xf32, #tpu.memory_space<hbm>>
    tpu.wait_indirect_dma semaphore(%arg13 : memref<!tpu.dma_semaphore, #tpu.memory_space<semaphore_mem>>) src(%dma_wait3A_67 : memref<8194x2048xf32, #tpu.memory_space<hbm>>) dst(%arg9 : memref<8x2048xf32, #tpu.memory_space<vmem>>)
    %add3A_68 = arith.constant 504 : i32
    %add3A_69 = arith.addi %mul3A_2, %add3A_68 : i32
    %dma_start3A_70 = arith.constant 0 : i32
    %dma_start3A_71 = tpu.memref_slice %arg4[%add3A_69, %dma_start3A_70] : memref<16384x2048xf32, #tpu.memory_space<hbm>> -> memref<8x2048xf32, #tpu.memory_space<hbm>>
    %dma_start3A_72 = arith.constant 0 : i32
    %dma_start3A_73 = tpu.memref_slice %arg4[%add3A_69, %dma_start3A_72] : memref<16384x2048xf32, #tpu.memory_space<hbm>> -> memref<8x2048xf32, #tpu.memory_space<hbm>>
    tpu.enqueue_dma source(%arg9 : memref<8x2048xf32, #tpu.memory_space<vmem>>) target(%dma_start3A_73 : memref<8x2048xf32, #tpu.memory_space<hbm>>) target_semaphore(%arg17 : memref<!tpu.dma_semaphore, #tpu.memory_space<semaphore_mem>>)
    %add3A_74 = arith.constant 480 : i32
    %add3A_75 = arith.addi %mul3A_2, %add3A_74 : i32
    %dma_wait3A_76 = arith.constant 0 : i32
    %dma_wait3A_77 = tpu.memref_slice %arg4[%add3A_75, %dma_wait3A_76] : memref<16384x2048xf32, #tpu.memory_space<hbm>> -> memref<8x2048xf32, #tpu.memory_space<hbm>>
    %dma_wait3A_78 = arith.constant 0 : i32
    %dma_wait3A_79 = tpu.memref_slice %arg4[%add3A_75, %dma_wait3A_78] : memref<16384x2048xf32, #tpu.memory_space<hbm>> -> memref<8x2048xf32, #tpu.memory_space<hbm>>
    tpu.wait_dma2 semaphore(%arg14 : memref<!tpu.dma_semaphore, #tpu.memory_space<semaphore_mem>>) src(%arg6 : memref<8x2048xf32, #tpu.memory_space<vmem>>) dst(%dma_wait3A_79 : memref<8x2048xf32, #tpu.memory_space<hbm>>)
    %add3A_80 = arith.constant 488 : i32
    %add3A_81 = arith.addi %mul3A_2, %add3A_80 : i32
    %dma_wait3A_82 = arith.constant 0 : i32
    %dma_wait3A_83 = tpu.memref_slice %arg4[%add3A_81, %dma_wait3A_82] : memref<16384x2048xf32, #tpu.memory_space<hbm>> -> memref<8x2048xf32, #tpu.memory_space<hbm>>
    %dma_wait3A_84 = arith.constant 0 : i32
    %dma_wait3A_85 = tpu.memref_slice %arg4[%add3A_81, %dma_wait3A_84] : memref<16384x2048xf32, #tpu.memory_space<hbm>> -> memref<8x2048xf32, #tpu.memory_space<hbm>>
    tpu.wait_dma2 semaphore(%arg15 : memref<!tpu.dma_semaphore, #tpu.memory_space<semaphore_mem>>) src(%arg7 : memref<8x2048xf32, #tpu.memory_space<vmem>>) dst(%dma_wait3A_85 : memref<8x2048xf32, #tpu.memory_space<hbm>>)
    %add3A_86 = arith.constant 496 : i32
    %add3A_87 = arith.addi %mul3A_2, %add3A_86 : i32
    %dma_wait3A_88 = arith.constant 0 : i32
    %dma_wait3A_89 = tpu.memref_slice %arg4[%add3A_87, %dma_wait3A_88] : memref<16384x2048xf32, #tpu.memory_space<hbm>> -> memref<8x2048xf32, #tpu.memory_space<hbm>>
    %dma_wait3A_90 = arith.constant 0 : i32
    %dma_wait3A_91 = tpu.memref_slice %arg4[%add3A_87, %dma_wait3A_90] : memref<16384x2048xf32, #tpu.memory_space<hbm>> -> memref<8x2048xf32, #tpu.memory_space<hbm>>
    tpu.wait_dma2 semaphore(%arg16 : memref<!tpu.dma_semaphore, #tpu.memory_space<semaphore_mem>>) src(%arg8 : memref<8x2048xf32, #tpu.memory_space<vmem>>) dst(%dma_wait3A_91 : memref<8x2048xf32, #tpu.memory_space<hbm>>)
    %add3A_92 = arith.constant 504 : i32
    %add3A_93 = arith.addi %mul3A_2, %add3A_92 : i32
    %dma_wait3A_94 = arith.constant 0 : i32
    %dma_wait3A_95 = tpu.memref_slice %arg4[%add3A_93, %dma_wait3A_94] : memref<16384x2048xf32, #tpu.memory_space<hbm>> -> memref<8x2048xf32, #tpu.memory_space<hbm>>
    %dma_wait3A_96 = arith.constant 0 : i32
    %dma_wait3A_97 = tpu.memref_slice %arg4[%add3A_93, %dma_wait3A_96] : memref<16384x2048xf32, #tpu.memory_space<hbm>> -> memref<8x2048xf32, #tpu.memory_space<hbm>>
    tpu.wait_dma2 semaphore(%arg17 : memref<!tpu.dma_semaphore, #tpu.memory_space<semaphore_mem>>) src(%arg9 : memref<8x2048xf32, #tpu.memory_space<vmem>>) dst(%dma_wait3A_97 : memref<8x2048xf32, #tpu.memory_space<hbm>>)
    return
  }
}

</mosaic_0001>

<sc_bundles>
// kernel: kernel.3.cloned.1.call-start
scs
__scs_entry_jumppad:
0x0: {  	(pc) =	sbr.rel $0x88, $3  }
0x1: {  	(tag) =	ssettag $0x0;
	lr =	simm.s32 $0x1  }
0x2: {  	[smem:$0x3F9F] =	sst lr;
	_ =	strace $0xD0000000  }
0x3: {  	_ = 	snop  }
0x4: {  	_ = 	snop  }
0x5: {  	_ = 	snop  }
0x6: {  	_ = 	snop  }
0x7: {  	_ = 	snop  }
__scs_overlays_trampoline_lowered:
0x8: {  	[smem:$0x3FAE] =	sst s0  }
0x9: {  	[smem:$0x3FAF] =	sst s1  }
0xa: {  	[smem:$0x3FB0] =	sst s2  }
0xb: {  	[smem:$0x3FB1] =	sst s3  }
0xc: {  	[smem:$0x3FB2] =	sst s4  }
0xd: {  	[smem:$0x3FB3] =	sst s5  }
0xe: {  	[smem:$0x3FB4] =	sst s6  }
0xf: {  	[smem:$0x3FB5] =	sst s7  }
0x10: {  	[smem:$0x3FB6] =	sst s8  }
0x11: {  	[smem:$0x3FB7] =	sst s9;
	s0 =	simm.s32 @!p0 $0x0  }
0x12: {  	s1 =	sld [smem:$0x3F9D];
	s0 =	simm.s32 @p0 $0x1  }
0x13: {  	[smem:$0x3FB8] =	sst s0;
	s0 =	simm.s32 @!p1 $0x0  }
0x14: {  	s2 =	sld [smem:$0x3F9C];
	s0 =	simm.s32 @p1 $0x1  }
0x15: {  	[smem:$0x3FB9] =	sst s0;
	s0 =	simm.s32 @!p2 $0x0  }
0x16: {  	s3 =	sld [smem:$0x3FDB];
	s0 =	simm.s32 @p2 $0x1  }
0x17: {  	s4 =	simm.s32 $0x1BF5;
	[smem:$0x3FBB] =	sst s0  }
0x18: {  	s0 =	sld [smem:$0x3F9E];
	_ =	swait.ge [sflag:s4], $0x0  }
0x19: {  	s7 =	sld [smem:$0x3F9F]  }
0x1a: {  	s8 =	sadd.s32 $0xFFFFE003, lr  }
0x1b: {  	s9 =	sadd.s32 $0xFFFFFEF7, lr;
	s5 =	simm.s32 $0xFFFFFFFF;
	p2 =	slt.u32 s8, $0xFFFFF086  }
0x1c: {  	p1 =	slt.u32 s9, $0xF7A;
	s5 =	simm.s32 @!p2 $0x0  }
0x1d: {  	s5 =	simm.s32 @p1 $0x1;
	p0 =	seq.s32 s7, s2  }
0x1e: {  	s7 =	smul.u32 @!p0 $0xF7A, s2;
	p2 =	seq.s32 @!p0 s5, $0x0  }
0x1f: {  	s9 =	smul.u32 $0xF7A, s1;
	s8 =	simm.s32 @!p0 $0x1BF5;
	p2 =	por !p2, p0  }
0x20: {  	[sflag:s8] =	ssyncset.s32 @!p0 $0xFFFFF086;
	s6 =	sadd.s32 @!p0 s3, s7;
	s7 =	simm.s32 @!p0 $0x108  }
0x21: {  	s3 =	sadd.s32 s3, s9;
	s6 =	sadd.s32 @!p0 $0x88, s6;
	s7 =	simm.s32 @p2 $0x1082  }
0x22: {  	[simem:s7], [sflag:s8] =	dma.local @!p0 [hbm:s6], $0xF7A  }
0x23: {  	s9 =	sor.u32 $0xD0000000, s2;
	s6 =	simm.s32 $0x108;
	_ =	swait.ge @!p0 [sflag:s8], $0x0  }
0x24: {  	s3 =	sadd.s32 $0x88, s3;
	s6 =	simm.s32 @!p1 $0x1082;
	[sflag:s4] =	ssyncset.s32 $0xFFFFF086  }
0x25: {  	[simem:s6], [sflag:s4] =	dma.local [hbm:s3], $0xF7A  }
0x26: {  	[smem:$0x3F9F] =	sst s1;
	(tag) =	ssettag s2;
	_ =	strace s9  }
0x27: {  	s1 =	sld [smem:$0x3FAF]  }
0x28: {  	s2 =	sld [smem:$0x3FB0]  }
0x29: {  	s4 =	sld [smem:$0x3FB2]  }
0x2a: {  	p0 =	seq.s32 s5, $0x0;
	s5 =	sld [smem:$0x3FB3]  }
0x2b: {  	s6 =	sld [smem:$0x3FB4]  }
0x2c: {  	s7 =	sld [smem:$0x3FB5]  }
0x2d: {  	s3 =	simm.s32 $0x108;
	s8 =	sld [smem:$0x3FB6]  }
0x2e: {  	s3 =	simm.s32 @!p0 $0x1082;
	s9 =	sld [smem:$0x3FB7]  }
0x2f: {  	lr =	sadd.s32 s0, s3;
	s0 =	sld [smem:$0x3FAE]  }
0x30: {  	s3 =	sld [smem:$0x3FB1]  }
0x31: {  	[smem:$0x3FBA] =	sst s10  }
0x32: {  	s10 =	sld [smem:$0x3FB8];
	_ =	sdelay $0x3  }
0x33: {  	p0 =	seq.s32 s10, $0x1;
	s10 =	sld [smem:$0x3FBA];
	_ =	sdelay $0x3  }
0x34: {  	[smem:$0x3FBA] =	sst s10  }
0x35: {  	s10 =	sld [smem:$0x3FB9];
	_ =	sdelay $0x3  }
0x36: {  	p1 =	seq.s32 s10, $0x1;
	s10 =	sld [smem:$0x3FBA];
	_ =	sdelay $0x3  }
0x37: {  	[smem:$0x3FBA] =	sst s10  }
0x38: {  	s10 =	sld [smem:$0x3FBB]  }
0x39: {  	_ = 	snop;
	(pc) =	sbr.ind lr, $3  }
0x3a: {  	_ = 	snop  }
0x3b: {  	_ = 	snop  }
0x3c: {  	p2 =	seq.s32 s10, $0x1;
	s10 =	sld [smem:$0x3FBA]  }
0x3d: {  	_ =	shalt  }
0x3e: {  	_ =	shalt  }
0x3f: {  	_ =	shalt  }
0x40: {  	_ =	shalt  }
0x41: {  	_ =	shalt  }
0x42: {  	_ =	shalt  }
0x43: {  	_ =	shalt  }
0x44: {  	_ =	shalt  }
0x45: {  	_ =	shalt  }
0x46: {  	_ =	shalt  }
0x47: {  	_ =	shalt  }
0x48: {  	_ =	shalt  }
0x49: {  	_ =	shalt  }
0x4a: {  	_ =	shalt  }
0x4b: {  	_ =	shalt  }
0x4c: {  	_ =	shalt  }
0x4d: {  	_ =	shalt  }
0x4e: {  	_ =	shalt  }
0x4f: {  	_ =	shalt  }
0x50: {  	_ =	shalt  }
0x51: {  	_ =	shalt  }
0x52: {  	_ =	shalt  }
0x53: {  	_ =	shalt  }
0x54: {  	_ =	shalt  }
0x55: {  	_ =	shalt  }
0x56: {  	_ =	shalt  }
0x57: {  	_ =	shalt  }
0x58: {  	_ =	shalt  }
0x59: {  	_ =	shalt  }
0x5a: {  	_ =	shalt  }
0x5b: {  	_ =	shalt  }
0x5c: {  	_ =	shalt  }
0x5d: {  	_ =	shalt  }
0x5e: {  	_ =	shalt  }
0x5f: {  	_ =	shalt  }
0x60: {  	_ =	shalt  }
0x61: {  	_ =	shalt  }
0x62: {  	_ =	shalt  }
0x63: {  	_ =	shalt  }
0x64: {  	_ =	shalt  }
0x65: {  	_ =	shalt  }
0x66: {  	_ =	shalt  }
0x67: {  	_ =	shalt  }
0x68: {  	_ =	shalt  }
0x69: {  	_ =	shalt  }
0x6a: {  	_ =	shalt  }
0x6b: {  	_ =	shalt  }
0x6c: {  	_ =	shalt  }
0x6d: {  	_ =	shalt  }
0x6e: {  	_ =	shalt  }
0x6f: {  	_ =	shalt  }
0x70: {  	_ =	shalt  }
0x71: {  	_ =	shalt  }
0x72: {  	_ =	shalt  }
0x73: {  	_ =	shalt  }
0x74: {  	_ =	shalt  }
0x75: {  	_ =	shalt  }
0x76: {  	_ =	shalt  }
0x77: {  	_ =	shalt  }
0x78: {  	_ =	shalt  }
0x79: {  	_ =	shalt  }
0x7a: {  	_ =	shalt  }
0x7b: {  	_ =	shalt  }
0x7c: {  	_ =	shalt  }
0x7d: {  	_ =	shalt  }
0x7e: {  	_ =	shalt  }
0x7f: {  	_ =	shalt  }
0x80: {  	_ =	shalt  }
0x81: {  	_ =	shalt  }
0x82: {  	_ =	shalt  }
0x83: {  	_ =	shalt  }
0x84: {  	_ =	shalt  }
0x85: {  	_ =	shalt  }
0x86: {  	_ =	shalt  }
0x87: {  	_ =	shalt  }
.Lfunc_end0:
.L_simem_size_0:
called_computation_lowered:
.L_overlay_start_0:
0x88: {  	s2 =	sld [smem:$0x3FD9]  }
0x89: {  	s3 =	sld [smem:$0x3FFE];
	_ =	sdelay $0x1  }
0x8a: {  	s1 =	srdreg.scid  }
0x8b: {  	s0 =	sand.u32 $0x1, s1  }
0x8c: {  	s17 =	sshll.u32 s0, $0xA;
	s2 =	sadd.s32 s3, s2  }
0x8d: {  	s2 =	sadd.s32 s2, s17  }
0x8e: {  	[smem:$0x3FC6] =	sst s2  }
0x8f: {  	_ = 	snop  }
0x90: {  	s2 =	sld [smem:$0x3FC8]  }
0x91: {  	s18 =	sld [smem:$0x3FD0];
	(tm) =	ssettm $0x1  }
0x92: {  	s4 =	sld [smem:$0x3FFB];
	_ =	sdelay $0x3  }
0x93: {  	_ =	strace s4  }
0x94: {  	s4 =	sld [smem:$0x3FFC];
	_ =	sdelay $0x3  }
0x95: {  	_ =	strace s4  }
0x96: {  	s4 =	sld [smem:$0x3FFD];
	_ =	sdelay $0x3  }
0x97: {  	_ =	strace s4  }
0x98: {  	_ =	strace $0x8FFFFFFF  }
0x99: {  	s19 =	sld [smem:$0x3FDB];
	_ =	sdelay $0x1  }
0x9a: {  	s5 =	simm.s32 $_scs_section_size  }
0x9b: {  	s6 =	simm.s32 $_size__tile_overlayer_lowered;
	s7 =	simm.s32 $_tile_overlayer_lowered  }
0x9c: {  	s22 =	simm.s32 $0x1BFF;
	s21 =	sshll.u32 s7, $0x1;
	s4 =	sadd.s32 s5, s19  }
0x9d: {  	s8 =	simm.s32 $0x0;
	s20 =	sshll.u32 s6, $0x1;
	s6 =	sadd.s32 s21, s4  }
0x9e: {  	[timem:s8], [sflag:s22] =	dma.local [hbm:s6], s20  }
0x9f: {  	_ =	swait.ge [sflag:s22], s20  }
0xa0: {  	s5 =	ssub.s32 $0x0, s20;
	[sflag:s22] =	ssyncset.done $0x0  }
0xa1: {  	[sflag:s22] =	ssyncadd.s32 s5;
	_ =	sdelay $0x1  }
0xa2: {  	s23 =	simm.s32 $0x1B8B  }
0xa3: {  	_ =	swait.ge [sflag:s23], $0x1  }
0xa4: {  	[sflag:s23] =	ssyncset.done $0x0  }
0xa5: {  	s25 =	simm.s32 $0x1B8E;
	s24 =	sld [smem:$0x3FFE];
	[sflag:s23] =	ssyncadd.s32 $0xFFFFFFFF  }
0xa6: {  	s26 =	simm.s32 $execute0_lowered;
	[smem:$0x3FD2] =	sst s25  }
0xa7: {  	s6 =	sshll.u32 s26, $0x1;
	_ =	strace $0x80000046;
	[dreg:$0x1] =	wrdreg $0xFFFFFFFF  }
0xa8: {  	s28 =	simm.s32 $_size_execute0_lowered;
	s4 =	sadd.s32 s4, s6;
	[dreg:$0x0] =	wrdreg $0x0  }
0xa9: {  	s6 =	sshll.u32 s28, $0x1;
	[dreg:$0x2] =	wrdreg s4  }
0xaa: {  	[dreg:$0x3] =	wrdreg s6  }
0xab: {  	[dreg:$0x4] =	wrdreg $0xC0  }
0xac: {  	_ =	task [dreg:s8], $0x5FFFF  }
0xad: {  	[dreg:$0x1] =	wrdreg $0xFFFFFFFF  }
0xae: {  	[dreg:$0x0] =	wrdreg $0x60  }
0xaf: {  	[dreg:$0x2] =	wrdreg s24  }
0xb0: {  	[dreg:$0x3] =	wrdreg s2  }
0xb1: {  	[dreg:$0x4] =	wrdreg s18  }
0xb2: {  	[dreg:$0x5] =	wrdreg $0x9  }
0xb3: {  	_ =	task.clear_ibuf [dreg:s8], $0x6FFFF;
	_ =	strace $0x90000046  }
0xb4: {  	s29 =	simm.s32 $0x9;
	_ =	strace $0x80000048  }
0xb5: {  	_ =	swait.ge [sflag:s29], $0x1  }
0xb6: {  	[sflag:s29] =	ssyncadd.s32 $0xFFFFFFFF  }
0xb7: {  	_ =	strace $0x90000048  }
0xb8: {  	_ =	sfence  }
0xb9: {  	s30 =	sld [smem:$0x0];
	_ =	sdelay $0x2  }
0xba: {  	s31 =	sshll.u32 s1, $0xD;
	s1 =	sshrl.u32 s1, $0x2  }
0xbb: {  	s3 =	sand.u32 $0x4000, s31;
	s1 =	sadd.s32 s1, s30  }
0xbc: {  	s0 =	sor.u32 s3, s0;
	s1 =	sshll.u32 s1, $0x11  }
0xbd: {  	s0 =	sor.u32 s1, s0  }
0xbe: {  	s0 =	sadd.s32 $0x8F2B, s0  }
0xbf: {  	[sflag:s0] =	ssyncadd.remote.s32 $0x1  }
0xc0: {  	_ =	sfence.sel $0xFFFF  }
0xc1: {  	[dreg:$0x0] =	wrdreg $0xFFFFFFFF;
	(pc) =	sbr.abs _section_cstart, $3  }
0xc2: {  	[dreg:$0x1] =	wrdreg $0xFFFFFFFF  }
0xc3: {  	_ =	task.clear_ibuf [dreg:s8], $0x2FFFF;
	_ =	strace $0x9FFFFFFF  }
0xc4: {  	(tm) =	ssettm $0x7FFFFFFF  }
0xc5: {  	_ =	shalt  }
tec
execute0_lowered:
.L_overlay_start_1:
0x0: {  	(tag) =	ssettag $0x1  }
0x1: {  	s0 =	rddreg [dreg:$0x0];
	s1 =	srdreg.scid  }
0x2: {  	s2 =	rddreg [dreg:$0x1];
	s13 =	stileid.u32  }
0x3: {  	s4 =	rddreg [dreg:$0x2];
	s3 =	simm.s32 $0x0;
	s20 =	simm.s32 $0x1200  }
0x4: {  	s28 =	simm.s32 $0x3200;
	s29 =	simm.s32 $0x3A00;
	s18 =	simm.s32 $0x4A00  }
0x5: {  	s30 =	simm.s32 $0x5A00;
	s31 =	simm.s32 $0x1;
	s15 =	simm.s32 $0x4  }
0x6: {  	s16 =	simm.s32 $0x8;
	s19 =	simm.s32 $0x0;
	s1 =	sand.u32 $0x1, s1  }
0x7: {  	s5 =	sshll.u32 s13, $0xA;
	[smem:$0x7FF] =	sst s3;
	s7 =	sadd.s32 $0x300, s2  }
0x8: {  	s8 =	sadd.s32 $0x400, s2;
	s9 =	sadd.s32 $0x500, s2;
	s10 =	sadd.s32 $0x600, s2  }
0x9: {  	s13 =	sshll.u32 s13, $0x12;
	s6 =	sshll.u32 s1, $0x9;
	s21 =	ssub.s32 $0x2, s1  }
0xa: {  	_ =	strace $0x80000047;
	s1 =	sshll.u32 s1, $0x11;
	s11 =	sor.u32 s6, s5  }
0xb: {  	s22 =	sshrl.u32 s21, $0x1;
	s6 =	sadd.s32 $0x200, s2;
	s5 =	sshrl.u32 s11, $0x3  }
0xc: {  	s12 =	ssub.s32 s21, s22;
	s23 =	sshll.u32 s11, $0x8;
	s11 =	sadd.s32 $0x700, s2  }
0xd: {  	s22 =	simm.s32 $0xA00;
	s21 =	simm.s32 $0x5200;
	s0 =	sadd.s32 s5, s0  }
0xe: {  	s5 =	sadd.s32 $0x100, s2;
	s26 =	smax.u32 s12, $0x1;
	s0 =	sadd.s32 $0x400, s0  }
0xf: {  	s12 =	simm.s32 $0x4200;
	[dreg:$0x5] =	wrdreg s0;
	s0 =	sadd.s32 s23, s4  }
0x10: {  	[dreg:$0xa] =	wrdreg s26;
	s26 =	simm.s32 $0x200;
	s14 =	sadd.s32 $0x1E000, s0  }
0x11: {  	s4 =	sadd.s32 s13, s4;
	s24 =	sadd.s32 $0x1E800, s0;
	[dreg:$0x6] =	wrdreg s14  }
0x12: {  	s23 =	simm.s32 $0x1A00;
	s25 =	sadd.s32 $0x1F000, s0;
	[dreg:$0x7] =	wrdreg s24  }
0x13: {  	s13 =	simm.s32 $0x3;
	s0 =	sadd.s32 $0x1F800, s0;
	[dreg:$0x8] =	wrdreg s25  }
0x14: {  	v0 =	vlaneseq.u32;
	s1 =	sadd.s32 s1, s4;
	s4 =	simm.s32 $0x6;
	[dreg:$0x9] =	wrdreg s0  }
0x15: {  	v1 =	vshrl.u32 v0, $0x3;
	[dreg:$0x4] =	wrdreg s1;
	s24 =	simm.s32 $0x2200;
	s25 =	simm.s32 $0x2A00  }
0x16: {  	vm0 =	vmmov $0xffff;
	v0 =	vand.u32 $0x7, v0;
	v1 =	vmul.u32 $0x8, v1;
	s1 =	simm.s32 $0x5;
	s0 =	simm.s32 $0x2;
	s14 =	simm.s32 $0x7  }
.LBB2_1:
0x17: {  	[dreg:$0xb] =	wrdreg s19  }
0x18: {  	s17 =	rddreg [dreg:$0x5];
	s19 =	simm.s32 $0x9  }
0x19: {  	[tilespmem:s3], [sflag:$0x9] =	stream.linear.gather [hbm4b:s17+s3], $0x200, $0x38;
	[tilespmem:$0x10200] =	vst v63  }
0x1a: {  	_ =	swait.ge [sflag:s19], $0x200  }
0x1b: {  	[sflag:s19] =	ssyncset.done $0x0  }
0x1c: {  	s17 =	simm.s32 $0x0;
	[sflag:s19] =	ssyncadd.s32 $0xFFFFFE00;
	s19 =	simm.s32 $0x40  }
.LBB2_2:
0x1d: {  	p0 =	sne.s32 s19, $0x7C0;
	v2 =	vld [tilespmem:s17+$0x0];
	_ =	sdelay $0x1  }
.Ltmp0:
0x1e: {  	(pc) =	sbr.rel @p0 .LBB2_2-.Ltmp0, $3  }
0x1f: {  	_ =	sdelay $0x1  }
0x20: {  	v2 =	vadd.s32 $0x2, v2  }
0x21: {  	[tilespmem:s17+$0x0] =	vst v2;
	s17 =	sshra.s32 s19, $0x2;
	s19 =	sadd.s32 $0x40, s19  }
0x22: {  	v2 =	vld [tilespmem:s17+$0x0];
	_ =	sdelay $0x4  }
0x23: {  	v2 =	vadd.s32 $0x2, v2  }
0x24: {  	[tilespmem:s17+$0x0] =	vst v2  }
0x25: {  	v2 =	vld.msk [tilespmem:$0x0], $0xff;
	_ =	sdelay $0x4  }
0x26: {  	v3 =	vshll.u32 v2, $0x4  }
0x27: {  	v2 =	vand.u32 $0x7, v2;
	v3 =	vand.u32 $0xFFFFFF80, v3  }
0x28: {  	v2 =	vor.u32 v2, v3  }
0x29: {  	v2 =	vperm.xlane v2, v0;
	_ =	sdelay $0x1  }
0x2a: {  	v2 =	vadd.s32 v1, v2;
	_ =	sdelay $0x3  }
0x2b: {  	s17 =	simm.s32 $0x0  }
0x2c: {  	[tilespmem:s26], [sflag:$0x1] =	stream.indirect_vreg.gather [hbm4b:s2+s17], $0x80, v2, vm0, $0xb8;
	[tilespmem:$0x10200] =	vst v63  }
0x2d: {  	_ = 	snop  }
0x2e: {  	[tilespmem:s22], [sflag:$0x1] =	stream.indirect_vreg.gather [hbm4b:s5+s17], $0x80, v2, vm0, $0xb8;
	[tilespmem:$0x10200] =	vst v63  }
0x2f: {  	_ = 	snop  }
0x30: {  	[tilespmem:s20], [sflag:$0x1] =	stream.indirect_vreg.gather [hbm4b:s6+s17], $0x80, v2, vm0, $0xb8;
	[tilespmem:$0x10200] =	vst v63  }
0x31: {  	_ = 	snop  }
0x32: {  	[tilespmem:s23], [sflag:$0x1] =	stream.indirect_vreg.gather [hbm4b:s7+s17], $0x80, v2, vm0, $0xb8;
	[tilespmem:$0x10200] =	vst v63  }
0x33: {  	_ = 	snop  }
0x34: {  	[tilespmem:s24], [sflag:$0x1] =	stream.indirect_vreg.gather [hbm4b:s8+s17], $0x80, v2, vm0, $0xb8;
	[tilespmem:$0x10200] =	vst v63  }
0x35: {  	_ = 	snop  }
0x36: {  	[tilespmem:s25], [sflag:$0x1] =	stream.indirect_vreg.gather [hbm4b:s9+s17], $0x80, v2, vm0, $0xb8;
	[tilespmem:$0x10200] =	vst v63  }
0x37: {  	_ = 	snop  }
0x38: {  	[tilespmem:s28], [sflag:$0x1] =	stream.indirect_vreg.gather [hbm4b:s10+s17], $0x80, v2, vm0, $0xb8;
	[tilespmem:$0x10200] =	vst v63  }
0x39: {  	_ = 	snop  }
0x3a: {  	[tilespmem:s29], [sflag:$0x1] =	stream.indirect_vreg.gather [hbm4b:s11+s17], $0x80, v2, vm0, $0xb8;
	[tilespmem:$0x10200] =	vst v63  }
0x3b: {  	v2 =	vld.msk [tilespmem:$0x8], $0xff;
	_ =	sdelay $0x4  }
0x3c: {  	v3 =	vshll.u32 v2, $0x4  }
0x3d: {  	v2 =	vand.u32 $0x7, v2;
	v3 =	vand.u32 $0xFFFFFF80, v3  }
0x3e: {  	v2 =	vor.u32 v2, v3  }
0x3f: {  	v2 =	vperm.xlane v2, v0;
	_ =	sdelay $0x1  }
0x40: {  	v2 =	vadd.s32 v1, v2;
	_ =	sdelay $0x4  }
0x41: {  	[tilespmem:s12], [sflag:$0x2] =	stream.indirect_vreg.gather [hbm4b:s2+s17], $0x80, v2, vm0, $0xb8;
	[tilespmem:$0x10200] =	vst v63  }
0x42: {  	_ = 	snop  }
0x43: {  	[tilespmem:s18], [sflag:$0x2] =	stream.indirect_vreg.gather [hbm4b:s5+s17], $0x80, v2, vm0, $0xb8;
	[tilespmem:$0x10200] =	vst v63  }
0x44: {  	_ = 	snop  }
0x45: {  	[tilespmem:s21], [sflag:$0x2] =	stream.indirect_vreg.gather [hbm4b:s6+s17], $0x80, v2, vm0, $0xb8;
	[tilespmem:$0x10200] =	vst v63  }
0x46: {  	_ = 	snop  }
0x47: {  	[tilespmem:s30], [sflag:$0x2] =	stream.indirect_vreg.gather [hbm4b:s7+s17], $0x80, v2, vm0, $0xb8;
	[tilespmem:$0x10200] =	vst v63  }
0x48: {  	s19 =	simm.s32 $0x6200  }
0x49: {  	[tilespmem:s19], [sflag:$0x2] =	stream.indirect_vreg.gather [hbm4b:s8+s17], $0x80, v2, vm0, $0xb8;
	[tilespmem:$0x10200] =	vst v63  }
0x4a: {  	s20 =	simm.s32 $0x6A00  }
0x4b: {  	[tilespmem:s20], [sflag:$0x2] =	stream.indirect_vreg.gather [hbm4b:s9+s17], $0x80, v2, vm0, $0xb8;
	[tilespmem:$0x10200] =	vst v63  }
0x4c: {  	s21 =	simm.s32 $0x7200  }
0x4d: {  	[tilespmem:s21], [sflag:$0x2] =	stream.indirect_vreg.gather [hbm4b:s10+s17], $0x80, v2, vm0, $0xb8;
	[tilespmem:$0x10200] =	vst v63  }
0x4e: {  	s23 =	simm.s32 $0x7A00  }
0x4f: {  	[tilespmem:s23], [sflag:$0x2] =	stream.indirect_vreg.gather [hbm4b:s11+s17], $0x80, v2, vm0, $0xb8;
	[tilespmem:$0x10200] =	vst v63  }
0x50: {  	v2 =	vld.msk [tilespmem:$0x10], $0xff;
	_ =	sdelay $0x4  }
0x51: {  	v3 =	vshll.u32 v2, $0x4  }
0x52: {  	v2 =	vand.u32 $0x7, v2;
	v3 =	vand.u32 $0xFFFFFF80, v3  }
0x53: {  	v2 =	vor.u32 v2, v3  }
0x54: {  	v2 =	vperm.xlane v2, v0;
	_ =	sdelay $0x1  }
0x55: {  	v2 =	vadd.s32 v1, v2;
	_ =	sdelay $0x3  }
0x56: {  	s28 =	simm.s32 $0x8200  }
0x57: {  	[tilespmem:s28], [sflag:$0x3] =	stream.indirect_vreg.gather [hbm4b:s2+s17], $0x80, v2, vm0, $0xb8;
	[tilespmem:$0x10200] =	vst v63  }
0x58: {  	s24 =	simm.s32 $0x8A00  }
0x59: {  	[tilespmem:s24], [sflag:$0x3] =	stream.indirect_vreg.gather [hbm4b:s5+s17], $0x80, v2, vm0, $0xb8;
	[tilespmem:$0x10200] =	vst v63  }
0x5a: {  	s25 =	simm.s32 $0x9200  }
0x5b: {  	[tilespmem:s25], [sflag:$0x3] =	stream.indirect_vreg.gather [hbm4b:s6+s17], $0x80, v2, vm0, $0xb8;
	[tilespmem:$0x10200] =	vst v63  }
0x5c: {  	s26 =	simm.s32 $0x9A00  }
0x5d: {  	[tilespmem:s26], [sflag:$0x3] =	stream.indirect_vreg.gather [hbm4b:s7+s17], $0x80, v2, vm0, $0xb8;
	[tilespmem:$0x10200] =	vst v63  }
0x5e: {  	s30 =	simm.s32 $0xA200  }
0x5f: {  	[tilespmem:s30], [sflag:$0x3] =	stream.indirect_vreg.gather [hbm4b:s8+s17], $0x80, v2, vm0, $0xb8;
	[tilespmem:$0x10200] =	vst v63  }
0x60: {  	s18 =	simm.s32 $0xAA00  }
0x61: {  	[tilespmem:s18], [sflag:$0x3] =	stream.indirect_vreg.gather [hbm4b:s9+s17], $0x80, v2, vm0, $0xb8;
	[tilespmem:$0x10200] =	vst v63  }
0x62: {  	s19 =	simm.s32 $0xB200  }
0x63: {  	[tilespmem:s19], [sflag:$0x3] =	stream.indirect_vreg.gather [hbm4b:s10+s17], $0x80, v2, vm0, $0xb8;
	[tilespmem:$0x10200] =	vst v63  }
0x64: {  	s20 =	simm.s32 $0xBA00  }
0x65: {  	[tilespmem:s20], [sflag:$0x3] =	stream.indirect_vreg.gather [hbm4b:s11+s17], $0x80, v2, vm0, $0xb8;
	[tilespmem:$0x10200] =	vst v63  }
0x66: {  	v2 =	vld.msk [tilespmem:$0x18], $0xff;
	_ =	sdelay $0x4  }
0x67: {  	v3 =	vshll.u32 v2, $0x4  }
0x68: {  	v2 =	vand.u32 $0x7, v2;
	v3 =	vand.u32 $0xFFFFFF80, v3  }
0x69: {  	v2 =	vor.u32 v2, v3  }
0x6a: {  	v2 =	vperm.xlane v2, v0;
	_ =	sdelay $0x1  }
0x6b: {  	v2 =	vadd.s32 v1, v2;
	_ =	sdelay $0x3  }
0x6c: {  	s21 =	simm.s32 $0xC200  }
0x6d: {  	[tilespmem:s21], [sflag:$0x4] =	stream.indirect_vreg.gather [hbm4b:s2+s17], $0x80, v2, vm0, $0xb8;
	[tilespmem:$0x10200] =	vst v63  }
0x6e: {  	s23 =	simm.s32 $0xCA00  }
0x6f: {  	[tilespmem:s23], [sflag:$0x4] =	stream.indirect_vreg.gather [hbm4b:s5+s17], $0x80, v2, vm0, $0xb8;
	[tilespmem:$0x10200] =	vst v63  }
0x70: {  	s24 =	simm.s32 $0xD200  }
0x71: {  	[tilespmem:s24], [sflag:$0x4] =	stream.indirect_vreg.gather [hbm4b:s6+s17], $0x80, v2, vm0, $0xb8;
	[tilespmem:$0x10200] =	vst v63  }
0x72: {  	s25 =	simm.s32 $0xDA00  }
0x73: {  	[tilespmem:s25], [sflag:$0x4] =	stream.indirect_vreg.gather [hbm4b:s7+s17], $0x80, v2, vm0, $0xb8;
	[tilespmem:$0x10200] =	vst v63  }
0x74: {  	s26 =	simm.s32 $0xE200  }
0x75: {  	[tilespmem:s26], [sflag:$0x4] =	stream.indirect_vreg.gather [hbm4b:s8+s17], $0x80, v2, vm0, $0xb8;
	[tilespmem:$0x10200] =	vst v63  }
0x76: {  	s29 =	simm.s32 $0x3200;
	s12 =	simm.s32 $0x4200;
	s30 =	simm.s32 $0xEA00  }
0x77: {  	[tilespmem:s30], [sflag:$0x4] =	stream.indirect_vreg.gather [hbm4b:s9+s17], $0x80, v2, vm0, $0xb8;
	[tilespmem:$0x10200] =	vst v63  }
0x78: {  	s18 =	simm.s32 $0xF200;
	s19 =	simm.s32 $0x38;
	s21 =	simm.s32 $0x5200  }
0x79: {  	[tilespmem:s18], [sflag:$0x4] =	stream.indirect_vreg.gather [hbm4b:s10+s17], $0x80, v2, vm0, $0xb8;
	[tilespmem:$0x10200] =	vst v63  }
0x7a: {  	s23 =	simm.s32 $0xFA00;
	s24 =	simm.s32 $0x5A00;
	s26 =	simm.s32 $0x200  }
0x7b: {  	[tilespmem:s23], [sflag:$0x4] =	stream.indirect_vreg.gather [hbm4b:s11+s17], $0x80, v2, vm0, $0xb8;
	[tilespmem:$0x10200] =	vst v63  }
.LBB2_4:
0x7c: {  	_ =	swait.ge [sflag:s31], $0x4000  }
0x7d: {  	s20 =	rddreg [dreg:$0x4];
	[sflag:s31] =	ssyncset.done $0x0  }
0x7e: {  	[sflag:s31] =	ssyncadd.s32 $0xFFFFC000;
	s20 =	sadd.s32 s17, s20  }
0x7f: {  	[hbm4b:s20+s3] =	stream.linear.scatter [tilespmem:s26], [sflag:$0x5], $0x4000, $0x38;
	[tilespmem:$0x10200] =	vst v63  }
0x80: {  	_ =	swait.ge [sflag:s1], $0x4000  }
0x81: {  	[sflag:s1] =	ssyncset.done $0x0  }
0x82: {  	[sflag:s1] =	ssyncadd.s32 $0xFFFFC000  }
0x83: {  	v2 =	vld.msk [tilespmem:s19+$0xFFFFFFE8], $0xff;
	_ =	sdelay $0x4  }
0x84: {  	v3 =	vshll.u32 v2, $0x4  }
0x85: {  	v2 =	vand.u32 $0x7, v2;
	v3 =	vand.u32 $0xFFFFFF80, v3  }
0x86: {  	v2 =	vor.u32 v2, v3  }
0x87: {  	v2 =	vperm.xlane v2, v0;
	_ =	sdelay $0x1  }
0x88: {  	v2 =	vadd.s32 v1, v2;
	_ =	sdelay $0x4  }
0x89: {  	[tilespmem:s26], [sflag:$0x1] =	stream.indirect_vreg.gather [hbm4b:s2+s3], $0x80, v2, vm0, $0xb8;
	[tilespmem:$0x10200] =	vst v63  }
0x8a: {  	_ = 	snop  }
0x8b: {  	[tilespmem:s22], [sflag:$0x1] =	stream.indirect_vreg.gather [hbm4b:s5+s3], $0x80, v2, vm0, $0xb8;
	[tilespmem:$0x10200] =	vst v63  }
0x8c: {  	s25 =	simm.s32 $0x1200  }
0x8d: {  	[tilespmem:s25], [sflag:$0x1] =	stream.indirect_vreg.gather [hbm4b:s6+s3], $0x80, v2, vm0, $0xb8;
	[tilespmem:$0x10200] =	vst v63  }
0x8e: {  	s25 =	simm.s32 $0x1A00  }
0x8f: {  	[tilespmem:s25], [sflag:$0x1] =	stream.indirect_vreg.gather [hbm4b:s7+s3], $0x80, v2, vm0, $0xb8;
	[tilespmem:$0x10200] =	vst v63  }
0x90: {  	s25 =	simm.s32 $0x2200  }
0x91: {  	[tilespmem:s25], [sflag:$0x1] =	stream.indirect_vreg.gather [hbm4b:s8+s3], $0x80, v2, vm0, $0xb8;
	[tilespmem:$0x10200] =	vst v63  }
0x92: {  	s25 =	simm.s32 $0x2A00  }
0x93: {  	[tilespmem:s25], [sflag:$0x1] =	stream.indirect_vreg.gather [hbm4b:s9+s3], $0x80, v2, vm0, $0xb8;
	[tilespmem:$0x10200] =	vst v63  }
0x94: {  	_ = 	snop  }
0x95: {  	[tilespmem:s29], [sflag:$0x1] =	stream.indirect_vreg.gather [hbm4b:s10+s3], $0x80, v2, vm0, $0xb8;
	[tilespmem:$0x10200] =	vst v63  }
0x96: {  	s25 =	simm.s32 $0x3A00  }
0x97: {  	[tilespmem:s25], [sflag:$0x1] =	stream.indirect_vreg.gather [hbm4b:s11+s3], $0x80, v2, vm0, $0xb8;
	[tilespmem:$0x10200] =	vst v63  }
0x98: {  	_ =	swait.ge [sflag:s0], $0x4000  }
0x99: {  	[sflag:s0] =	ssyncset.done $0x0  }
0x9a: {  	s25 =	sadd.s32 $0x800, s20;
	[sflag:s0] =	ssyncadd.s32 $0xFFFFC000  }
0x9b: {  	[hbm4b:s25+s3] =	stream.linear.scatter [tilespmem:s12], [sflag:$0x6], $0x4000, $0x38;
	[tilespmem:$0x10200] =	vst v63  }
0x9c: {  	_ =	swait.ge [sflag:s4], $0x4000  }
0x9d: {  	[sflag:s4] =	ssyncset.done $0x0  }
0x9e: {  	[sflag:s4] =	ssyncadd.s32 $0xFFFFC000  }
0x9f: {  	v2 =	vld.msk [tilespmem:s19+$0xFFFFFFF0], $0xff;
	_ =	sdelay $0x4  }
0xa0: {  	v3 =	vshll.u32 v2, $0x4  }
0xa1: {  	v2 =	vand.u32 $0x7, v2;
	v3 =	vand.u32 $0xFFFFFF80, v3  }
0xa2: {  	v2 =	vor.u32 v2, v3  }
0xa3: {  	v2 =	vperm.xlane v2, v0;
	_ =	sdelay $0x1  }
0xa4: {  	v2 =	vadd.s32 v1, v2;
	_ =	sdelay $0x4  }
0xa5: {  	[tilespmem:s12], [sflag:$0x2] =	stream.indirect_vreg.gather [hbm4b:s2+s3], $0x80, v2, vm0, $0xb8;
	[tilespmem:$0x10200] =	vst v63  }
0xa6: {  	s25 =	simm.s32 $0x4A00  }
0xa7: {  	[tilespmem:s25], [sflag:$0x2] =	stream.indirect_vreg.gather [hbm4b:s5+s3], $0x80, v2, vm0, $0xb8;
	[tilespmem:$0x10200] =	vst v63  }
0xa8: {  	_ = 	snop  }
0xa9: {  	[tilespmem:s21], [sflag:$0x2] =	stream.indirect_vreg.gather [hbm4b:s6+s3], $0x80, v2, vm0, $0xb8;
	[tilespmem:$0x10200] =	vst v63  }
0xaa: {  	_ = 	snop  }
0xab: {  	[tilespmem:s24], [sflag:$0x2] =	stream.indirect_vreg.gather [hbm4b:s7+s3], $0x80, v2, vm0, $0xb8;
	[tilespmem:$0x10200] =	vst v63  }
0xac: {  	s25 =	simm.s32 $0x6200  }
0xad: {  	[tilespmem:s25], [sflag:$0x2] =	stream.indirect_vreg.gather [hbm4b:s8+s3], $0x80, v2, vm0, $0xb8;
	[tilespmem:$0x10200] =	vst v63  }
0xae: {  	s25 =	simm.s32 $0x6A00  }
0xaf: {  	[tilespmem:s25], [sflag:$0x2] =	stream.indirect_vreg.gather [hbm4b:s9+s3], $0x80, v2, vm0, $0xb8;
	[tilespmem:$0x10200] =	vst v63  }
0xb0: {  	s25 =	simm.s32 $0x7200  }
0xb1: {  	[tilespmem:s25], [sflag:$0x2] =	stream.indirect_vreg.gather [hbm4b:s10+s3], $0x80, v2, vm0, $0xb8;
	[tilespmem:$0x10200] =	vst v63  }
0xb2: {  	s25 =	simm.s32 $0x7A00  }
0xb3: {  	[tilespmem:s25], [sflag:$0x2] =	stream.indirect_vreg.gather [hbm4b:s11+s3], $0x80, v2, vm0, $0xb8;
	[tilespmem:$0x10200] =	vst v63  }
0xb4: {  	_ =	swait.ge [sflag:s13], $0x4000  }
0xb5: {  	[sflag:s13] =	ssyncset.done $0x0  }
0xb6: {  	s25 =	sadd.s32 $0x1000, s20;
	[sflag:s13] =	ssyncadd.s32 $0xFFFFC000  }
0xb7: {  	[hbm4b:s25+s3] =	stream.linear.scatter [tilespmem:s28], [sflag:$0x7], $0x4000, $0x38;
	[tilespmem:$0x10200] =	vst v63  }
0xb8: {  	_ =	swait.ge [sflag:s14], $0x4000  }
0xb9: {  	[sflag:s14] =	ssyncset.done $0x0  }
0xba: {  	[sflag:s14] =	ssyncadd.s32 $0xFFFFC000  }
0xbb: {  	v2 =	vld.msk [tilespmem:s19+$0xFFFFFFF8], $0xff;
	_ =	sdelay $0x4  }
0xbc: {  	v3 =	vshll.u32 v2, $0x4  }
0xbd: {  	v2 =	vand.u32 $0x7, v2;
	v3 =	vand.u32 $0xFFFFFF80, v3  }
0xbe: {  	v2 =	vor.u32 v2, v3  }
0xbf: {  	v2 =	vperm.xlane v2, v0;
	_ =	sdelay $0x1  }
0xc0: {  	v2 =	vadd.s32 v1, v2;
	_ =	sdelay $0x4  }
0xc1: {  	[tilespmem:s28], [sflag:$0x3] =	stream.indirect_vreg.gather [hbm4b:s2+s3], $0x80, v2, vm0, $0xb8;
	[tilespmem:$0x10200] =	vst v63  }
0xc2: {  	s25 =	simm.s32 $0x8A00  }
0xc3: {  	[tilespmem:s25], [sflag:$0x3] =	stream.indirect_vreg.gather [hbm4b:s5+s3], $0x80, v2, vm0, $0xb8;
	[tilespmem:$0x10200] =	vst v63  }
0xc4: {  	s25 =	simm.s32 $0x9200  }
0xc5: {  	[tilespmem:s25], [sflag:$0x3] =	stream.indirect_vreg.gather [hbm4b:s6+s3], $0x80, v2, vm0, $0xb8;
	[tilespmem:$0x10200] =	vst v63  }
0xc6: {  	s25 =	simm.s32 $0x9A00  }
0xc7: {  	[tilespmem:s25], [sflag:$0x3] =	stream.indirect_vreg.gather [hbm4b:s7+s3], $0x80, v2, vm0, $0xb8;
	[tilespmem:$0x10200] =	vst v63  }
0xc8: {  	s25 =	simm.s32 $0xA200  }
0xc9: {  	[tilespmem:s25], [sflag:$0x3] =	stream.indirect_vreg.gather [hbm4b:s8+s3], $0x80, v2, vm0, $0xb8;
	[tilespmem:$0x10200] =	vst v63  }
0xca: {  	s25 =	simm.s32 $0xAA00  }
0xcb: {  	[tilespmem:s25], [sflag:$0x3] =	stream.indirect_vreg.gather [hbm4b:s9+s3], $0x80, v2, vm0, $0xb8;
	[tilespmem:$0x10200] =	vst v63  }
0xcc: {  	s25 =	simm.s32 $0xB200  }
0xcd: {  	[tilespmem:s25], [sflag:$0x3] =	stream.indirect_vreg.gather [hbm4b:s10+s3], $0x80, v2, vm0, $0xb8;
	[tilespmem:$0x10200] =	vst v63  }
0xce: {  	s25 =	simm.s32 $0xBA00  }
0xcf: {  	[tilespmem:s25], [sflag:$0x3] =	stream.indirect_vreg.gather [hbm4b:s11+s3], $0x80, v2, vm0, $0xb8;
	[tilespmem:$0x10200] =	vst v63  }
0xd0: {  	_ =	swait.ge [sflag:s15], $0x4000  }
0xd1: {  	[sflag:s15] =	ssyncset.done $0x0  }
0xd2: {  	s30 =	simm.s32 $0xC200;
	s20 =	sadd.s32 $0x1800, s20;
	[sflag:s15] =	ssyncadd.s32 $0xFFFFC000  }
0xd3: {  	[hbm4b:s20+s3] =	stream.linear.scatter [tilespmem:s30], [sflag:$0x8], $0x4000, $0x38;
	[tilespmem:$0x10200] =	vst v63  }
0xd4: {  	_ =	swait.ge [sflag:s16], $0x4000  }
0xd5: {  	[sflag:s16] =	ssyncset.done $0x0  }
0xd6: {  	[sflag:s16] =	ssyncadd.s32 $0xFFFFC000  }
0xd7: {  	v2 =	vld.msk [tilespmem:s19+$0x0], $0xff;
	_ =	sdelay $0x4  }
0xd8: {  	v3 =	vshll.u32 v2, $0x4  }
0xd9: {  	v2 =	vand.u32 $0x7, v2;
	v3 =	vand.u32 $0xFFFFFF80, v3  }
0xda: {  	v2 =	vor.u32 v2, v3  }
0xdb: {  	v2 =	vperm.xlane v2, v0;
	_ =	sdelay $0x1  }
0xdc: {  	v2 =	vadd.s32 v1, v2;
	_ =	sdelay $0x3  }
0xdd: {  	s20 =	simm.s32 $0xC200  }
0xde: {  	[tilespmem:s20], [sflag:$0x4] =	stream.indirect_vreg.gather [hbm4b:s2+s3], $0x80, v2, vm0, $0xb8;
	[tilespmem:$0x10200] =	vst v63  }
0xdf: {  	s30 =	simm.s32 $0xCA00  }
0xe0: {  	[tilespmem:s30], [sflag:$0x4] =	stream.indirect_vreg.gather [hbm4b:s5+s3], $0x80, v2, vm0, $0xb8;
	[tilespmem:$0x10200] =	vst v63  }
0xe1: {  	s30 =	simm.s32 $0xD200  }
0xe2: {  	[tilespmem:s30], [sflag:$0x4] =	stream.indirect_vreg.gather [hbm4b:s6+s3], $0x80, v2, vm0, $0xb8;
	[tilespmem:$0x10200] =	vst v63  }
0xe3: {  	s30 =	simm.s32 $0xDA00  }
0xe4: {  	[tilespmem:s30], [sflag:$0x4] =	stream.indirect_vreg.gather [hbm4b:s7+s3], $0x80, v2, vm0, $0xb8;
	[tilespmem:$0x10200] =	vst v63  }
0xe5: {  	s30 =	simm.s32 $0xE200  }
0xe6: {  	[tilespmem:s30], [sflag:$0x4] =	stream.indirect_vreg.gather [hbm4b:s8+s3], $0x80, v2, vm0, $0xb8;
	[tilespmem:$0x10200] =	vst v63  }
0xe7: {  	p0 =	sne.s32 s17, $0x1C000;
	s30 =	simm.s32 $0xEA00  }
0xe8: {  	[tilespmem:s30], [sflag:$0x4] =	stream.indirect_vreg.gather [hbm4b:s9+s3], $0x80, v2, vm0, $0xb8;
	[tilespmem:$0x10200] =	vst v63  }
.Ltmp1:
0xe9: {  	_ = 	snop;
	(pc) =	sbr.rel @p0 .LBB2_4-.Ltmp1, $4  }
0xea: {  	_ = 	snop  }
0xeb: {  	[tilespmem:s18], [sflag:$0x4] =	stream.indirect_vreg.gather [hbm4b:s10+s3], $0x80, v2, vm0, $0xb8;
	[tilespmem:$0x10200] =	vst v63  }
0xec: {  	s17 =	sadd.s32 $0x2000, s17;
	s22 =	simm.s32 $0xA00;
	s19 =	sadd.s32 $0x20, s19  }
0xed: {  	[tilespmem:s23], [sflag:$0x4] =	stream.indirect_vreg.gather [hbm4b:s11+s3], $0x80, v2, vm0, $0xb8;
	[tilespmem:$0x10200] =	vst v63  }
0xee: {  	_ =	swait.ge [sflag:s31], $0x4000  }
0xef: {  	[sflag:s31] =	ssyncset.done $0x0  }
0xf0: {  	s17 =	rddreg [dreg:$0x6];
	[sflag:s31] =	ssyncadd.s32 $0xFFFFC000  }
0xf1: {  	[hbm4b:s17+s3] =	stream.linear.scatter [tilespmem:s26], [sflag:$0x5], $0x4000, $0x38;
	[tilespmem:$0x10200] =	vst v63  }
0xf2: {  	_ =	swait.ge [sflag:s0], $0x4000  }
0xf3: {  	[sflag:s0] =	ssyncset.done $0x0  }
0xf4: {  	s23 =	rddreg [dreg:$0x7];
	[sflag:s0] =	ssyncadd.s32 $0xFFFFC000  }
0xf5: {  	[hbm4b:s23+s3] =	stream.linear.scatter [tilespmem:s12], [sflag:$0x6], $0x4000, $0x38;
	[tilespmem:$0x10200] =	vst v63  }
0xf6: {  	_ =	swait.ge [sflag:s13], $0x4000  }
0xf7: {  	[sflag:s13] =	ssyncset.done $0x0  }
0xf8: {  	s24 =	rddreg [dreg:$0x8];
	[sflag:s13] =	ssyncadd.s32 $0xFFFFC000  }
0xf9: {  	[hbm4b:s24+s3] =	stream.linear.scatter [tilespmem:s28], [sflag:$0x7], $0x4000, $0x38;
	[tilespmem:$0x10200] =	vst v63  }
0xfa: {  	_ =	swait.ge [sflag:s15], $0x4000  }
0xfb: {  	[sflag:s15] =	ssyncset.done $0x0  }
0xfc: {  	s25 =	rddreg [dreg:$0x9];
	[sflag:s15] =	ssyncadd.s32 $0xFFFFC000  }
0xfd: {  	[hbm4b:s25+s3] =	stream.linear.scatter [tilespmem:s20], [sflag:$0x8], $0x4000, $0x38;
	[tilespmem:$0x10200] =	vst v63  }
0xfe: {  	_ =	swait.ge [sflag:s1], $0x4000  }
0xff: {  	[sflag:s1] =	ssyncset.done $0x0  }
0x100: {  	[sflag:s1] =	ssyncadd.s32 $0xFFFFC000  }
0x101: {  	_ =	swait.ge [sflag:s4], $0x4000  }
0x102: {  	[sflag:s4] =	ssyncset.done $0x0  }
0x103: {  	[sflag:s4] =	ssyncadd.s32 $0xFFFFC000  }
0x104: {  	_ =	swait.ge [sflag:s14], $0x4000  }
0x105: {  	[sflag:s14] =	ssyncset.done $0x0  }
0x106: {  	[sflag:s14] =	ssyncadd.s32 $0xFFFFC000  }
0x107: {  	_ =	swait.ge [sflag:s16], $0x4000  }
0x108: {  	s19 =	rddreg [dreg:$0xb]  }
0x109: {  	s26 =	rddreg [dreg:$0xa];
	s19 =	sadd.s32 $0x1, s19  }
0x10a: {  	p0 =	sne.s32 s19, s26  }
.Ltmp2:
0x10b: {  	s29 =	simm.s32 $0x3A00;
	(pc) =	sbr.rel @p0 .LBB2_1-.Ltmp2, $4  }
0x10c: {  	s18 =	simm.s32 $0x4A00;
	s21 =	simm.s32 $0x5200;
	s30 =	simm.s32 $0x5A00  }
0x10d: {  	s23 =	simm.s32 $0x1A00;
	s12 =	simm.s32 $0x4200;
	s24 =	simm.s32 $0x2200  }
0x10e: {  	s28 =	simm.s32 $0x3200;
	s20 =	simm.s32 $0x1200;
	[sflag:s16] =	ssyncset.done $0x0  }
0x10f: {  	s25 =	simm.s32 $0x2A00;
	[sflag:s16] =	ssyncadd.s32 $0xFFFFC000;
	s26 =	simm.s32 $0x200  }
0x110: {  	_ =	sfence.sel $0x180000  }
0x111: {  	[bflag:$0x0] =	sbarrier.arrive $0xFFFF  }
0x112: {  	_ =	strace $0x90000047  }
0x113: {  	s0 =	stileid.u32;
	[bflag:$0x2] =	sbarrier.arrive $0xFFFF  }
0x114: {  	p0 =	sne.s32 s0, $0x0;
	s0 =	rddreg [dreg:$0x3]  }
0x115: {  	s0 =	sadd.s32 @!p0 $0x100000, s0  }
0x116: {  	[sflag:s0] =	ssyncadd.tile.s32 @!p0 $0x1;
	_ =	shalt  }
.Lfunc_end2:
_tile_overlayer_lowered:
.L_overlay_start_2:
0x117: {  	(tag) =	ssettag $0x2  }
0x118: {  	s0 =	rddreg [dreg:$0x0];
	s2 =	stileid.u32  }
0x119: {  	s1 =	rddreg [dreg:$0x1];
	p0 =	sne.s32 s2, $0x0  }
0x11a: {  	s3 =	rddreg [dreg:$0x2];
	[bflag:$0x3] =	sbarrier.arrive $0xFFFF;
	s2 =	simm.s32 @!p0 $0x1C09  }
0x11b: {  	[timem:s3], [sflag:s2] =	dma.local @!p0 [hbm:s0], s1  }
0x11c: {  	s0 =	simm.s32 @!p0 $0x9  }
0x11d: {  	_ =	swait.ge @!p0 [sflag:s0], s1  }
0x11e: {  	s1 =	ssub.s32 @!p0 $0x0, s1;
	[sflag:s0] =	ssyncset.done @!p0 $0x0  }
0x11f: {  	[sflag:s0] =	ssyncadd.s32 @!p0 s1  }
0x120: {  	[bflag:$0x3] =	sbarrier.arrive $0xFFFF  }
0x121: {  	_ =	shalt  }

</sc_bundles>
